<compile_context>
chip_gen: v7x
topology: tpu7x:2x2x1
jax: 0.10.2.dev20260603
libtpu: 0.0.44.dev20260713+nightly
codegen_flags: <defaults>
</compile_context>

<pallas_src>
import functools

import jax
import jax.numpy as jnp
from jax import lax
from jax.experimental import pallas as pl
from jax.experimental.pallas import tpu as pltpu
from jax.experimental.pallas import tpu_sc as plsc

_NUM_WORKERS = 32
_LIGHT = 28


def kernel(indices, embedding_weight):
    batch, tokens = indices.shape
    vocab, dim = embedding_weight.shape
    rows = batch * tokens
    assert _LIGHT * 24 + (_NUM_WORKERS - _LIGHT) * 32 == rows

    idx_flat = indices.reshape(-1).astype(jnp.int32)
    mesh = plsc.VectorSubcoreMesh(core_axis_name="c", subcore_axis_name="s")

    @functools.partial(
        pl.kernel,
        mesh=mesh,
        out_type=jax.ShapeDtypeStruct((rows, dim), jnp.float32),
        scratch_types=[
            pltpu.VMEM((32,), jnp.int32),
            pltpu.VMEM((8, dim), jnp.float32),
            pltpu.VMEM((16, dim), jnp.float32),
            pltpu.SemaphoreType.DMA,
            pltpu.SemaphoreType.DMA,
        ],
    )
    def gather_kernel(table_hbm, idx_hbm, out_hbm, idx_v, buf_a, buf_b, gsem, wsem):
        wid = lax.axis_index("s") * 2 + lax.axis_index("c")
        heavy = wid >= _LIGHT
        off = jnp.where(heavy, _LIGHT * 24 + (wid - _LIGHT) * 32, wid * 24)

        pltpu.sync_copy(idx_hbm.at[pl.ds(off, 32)], idx_v)

        def gather(i0, n, buf):
            return pltpu.async_copy(
                table_hbm.at[idx_v.at[pl.ds(i0, n)]], buf, gsem
            )

        g0 = gather(0, 8, buf_a)
        g1 = gather(8, 16, buf_b)
        g0.wait()
        w0 = pltpu.async_copy(buf_a, out_hbm.at[pl.ds(off, 8)], wsem)
        g1.wait()
        w1 = pltpu.async_copy(buf_b, out_hbm.at[pl.ds(off + 8, 16)], wsem)
        w0.wait()

        @pl.when(heavy)
        def _():
            g2 = gather(24, 8, buf_a)
            g2.wait()
            pltpu.async_copy(
                buf_a, out_hbm.at[pl.ds(off + 24, 8)], wsem
            ).wait()

        w1.wait()

    out = gather_kernel(embedding_weight, idx_flat)
    return out.reshape(batch, tokens, dim)

# --- scband reference (transcript-rebuilt; emitter-appended) ---
"""Pipeline reference for scband-prompt-tuning-embedding-7876970021483 (READ-ONLY COPY).

The authoritative reference and input builder live on the scoring server;
editing this copy changes nothing except your own understanding.
"""

import jax, jax.numpy as jnp
import numpy as np

TOTAL_VIRTUAL_TOKENS = 200  # num_virtual_tokens * num_transformer_submodules
TOKEN_DIM = 4096
BATCH = 4

def setup_inputs(seed: int = 0) -> dict:
    key = jax.random.key(seed)
    k_idx, k_emb = jax.random.split(key)
    indices = jax.random.randint(k_idx, (BATCH, TOTAL_VIRTUAL_TOKENS), 0, TOTAL_VIRTUAL_TOKENS, dtype=jnp.int64 if jax.config.read('jax_enable_x64') else jnp.int32)
    # embedding table parameter (torch.nn.Embedding default init ~ N(0,1))
    embedding_weight = jax.random.normal(k_emb, (TOTAL_VIRTUAL_TOKENS, TOKEN_DIM), dtype=jnp.float32)
    return {"indices": indices, "embedding_weight": embedding_weight}

def reference(indices, embedding_weight):
    # prompt_embeddings = self.embedding(indices)
    prompt_embeddings = jnp.take(embedding_weight, indices, axis=0)
    return prompt_embeddings

if __name__ == "__main__":
    import jax
    _d = setup_inputs()
    print(jax.jit(kernel)(*tuple(_d.values())))

</pallas_src>

<mosaic_0001>
#map = affine_map<(d0, d1) -> (0, 0)>
#map1 = affine_map<(d0, d1) -> (0)>
module attributes {stable_mosaic.version = 14 : i64} {
  func.func @gather_kernel(%arg0: i32, %arg1: i32, %arg2: memref<200x4096xf32, #tpu.memory_space<hbm>>, %arg3: memref<800xi32, #tpu.memory_space<hbm>>, %arg4: memref<800x4096xf32, #tpu.memory_space<hbm>>, %arg5: memref<32xi32, #tpu.memory_space<vmem>>, %arg6: memref<8x4096xf32, #tpu.memory_space<vmem>>, %arg7: memref<16x4096xf32, #tpu.memory_space<vmem>>, %arg8: memref<!tpu.dma_semaphore, #tpu.memory_space<semaphore_mem>>, %arg9: memref<!tpu.dma_semaphore, #tpu.memory_space<semaphore_mem>>) attributes {dimension_semantics = [#tpu.dimension_semantics<core_parallel>, #tpu.dimension_semantics<subcore_parallel>], iteration_bounds = array<i64: 2, 16>, scalar_prefetch = 0 : i64, scratch_operands = 5 : i64, tpu.core_type = #tpu.core_type<sc_vector_subcore>, window_params = [{transform_indices = #map}, {transform_indices = #map1}, {transform_indices = #map}]} {
    %mul3A = arith.constant 2 : i32
    %mul3A_0 = arith.muli %arg1, %mul3A : i32
    %add3A = arith.addi %mul3A_0, %arg0 : i32
    %ge3A = arith.constant 28 : i32
    %ge3A_1 = arith.cmpi sge, %add3A, %ge3A : i32
    %sub3A = arith.constant 28 : i32
    %sub3A_2 = arith.subi %add3A, %sub3A : i32
    %mul3A_3 = arith.constant 32 : i32
    %mul3A_4 = arith.muli %sub3A_2, %mul3A_3 : i32
    %add3A_5 = arith.constant 672 : i32
    %add3A_6 = arith.addi %add3A_5, %mul3A_4 : i32
    %mul3A_7 = arith.constant 24 : i32
    %mul3A_8 = arith.muli %add3A, %mul3A_7 : i32
    %select_n3A = arith.select %ge3A_1, %add3A_6, %mul3A_8 : i32
    "tpu.region"() ({
      %run_scoped3A = tpu.sem_alloc : memref<!tpu.dma_semaphore, #tpu.memory_space<semaphore_mem>>
      %dma_start3A_46 = tpu.memref_slice %arg3[%select_n3A] : memref<800xi32, #tpu.memory_space<hbm>> -> memref<32xi32, #tpu.memory_space<hbm>>
      %dma_start3A_47 = tpu.memref_slice %arg3[%select_n3A] : memref<800xi32, #tpu.memory_space<hbm>> -> memref<32xi32, #tpu.memory_space<hbm>>
      tpu.enqueue_dma source(%dma_start3A_47 : memref<32xi32, #tpu.memory_space<hbm>>) target(%arg5 : memref<32xi32, #tpu.memory_space<vmem>>) target_semaphore(%run_scoped3A : memref<!tpu.dma_semaphore, #tpu.memory_space<semaphore_mem>>)
      %dma_wait3A_48 = tpu.memref_slice %arg3[%select_n3A] : memref<800xi32, #tpu.memory_space<hbm>> -> memref<32xi32, #tpu.memory_space<hbm>>
      %dma_wait3A_49 = tpu.memref_slice %arg3[%select_n3A] : memref<800xi32, #tpu.memory_space<hbm>> -> memref<32xi32, #tpu.memory_space<hbm>>
      tpu.wait_dma2 semaphore(%run_scoped3A : memref<!tpu.dma_semaphore, #tpu.memory_space<semaphore_mem>>) src(%dma_wait3A_49 : memref<32xi32, #tpu.memory_space<hbm>>) dst(%arg5 : memref<32xi32, #tpu.memory_space<vmem>>)
      tpu.yield
    }) : () -> ()
    %dma_start3A = arith.constant 0 : i32
    %dma_start3A_9 = tpu.memref_slice %arg5[%dma_start3A] : memref<32xi32, #tpu.memory_space<vmem>> -> memref<8xi32, #tpu.memory_space<vmem>>
    %dma_start3A_10 = arith.constant 0 : i32
    %dma_start3A_11 = arith.constant 0 : i32
    %dma_start3A_12 = tpu.memref_slice %arg2[%dma_start3A_10, %dma_start3A_11] : memref<200x4096xf32, #tpu.memory_space<hbm>> -> memref<200x4096xf32, #tpu.memory_space<hbm>>
    tpu.enqueue_indirect_dma source(%dma_start3A_12 : memref<200x4096xf32, #tpu.memory_space<hbm>>) target(%arg6 : memref<8x4096xf32, #tpu.memory_space<vmem>>) offsets(%dma_start3A_9 : memref<8xi32, #tpu.memory_space<vmem>>) semaphore(%arg8 : memref<!tpu.dma_semaphore, #tpu.memory_space<semaphore_mem>>)
    %dma_start3A_13 = arith.constant 8 : i32
    %dma_start3A_14 = tpu.memref_slice %arg5[%dma_start3A_13] : memref<32xi32, #tpu.memory_space<vmem>> -> memref<16xi32, #tpu.memory_space<vmem>>
    %dma_start3A_15 = arith.constant 0 : i32
    %dma_start3A_16 = arith.constant 0 : i32
    %dma_start3A_17 = tpu.memref_slice %arg2[%dma_start3A_15, %dma_start3A_16] : memref<200x4096xf32, #tpu.memory_space<hbm>> -> memref<200x4096xf32, #tpu.memory_space<hbm>>
    tpu.enqueue_indirect_dma source(%dma_start3A_17 : memref<200x4096xf32, #tpu.memory_space<hbm>>) target(%arg7 : memref<16x4096xf32, #tpu.memory_space<vmem>>) offsets(%dma_start3A_14 : memref<16xi32, #tpu.memory_space<vmem>>) semaphore(%arg8 : memref<!tpu.dma_semaphore, #tpu.memory_space<semaphore_mem>>)
    %dma_wait3A = arith.constant 0 : i32
    %dma_wait3A_18 = tpu.memref_slice %arg5[%dma_wait3A] : memref<32xi32, #tpu.memory_space<vmem>> -> memref<8xi32, #tpu.memory_space<vmem>>
    %dma_wait3A_19 = arith.constant 0 : i32
    %dma_wait3A_20 = arith.constant 0 : i32
    %dma_wait3A_21 = tpu.memref_slice %arg2[%dma_wait3A_19, %dma_wait3A_20] : memref<200x4096xf32, #tpu.memory_space<hbm>> -> memref<200x4096xf32, #tpu.memory_space<hbm>>
    tpu.wait_indirect_dma semaphore(%arg8 : memref<!tpu.dma_semaphore, #tpu.memory_space<semaphore_mem>>) src(%dma_wait3A_21 : memref<200x4096xf32, #tpu.memory_space<hbm>>) dst(%arg6 : memref<8x4096xf32, #tpu.memory_space<vmem>>)
    %dma_start3A_22 = arith.constant 0 : i32
    %dma_start3A_23 = tpu.memref_slice %arg4[%select_n3A, %dma_start3A_22] : memref<800x4096xf32, #tpu.memory_space<hbm>> -> memref<8x4096xf32, #tpu.memory_space<hbm>>
    %dma_start3A_24 = arith.constant 0 : i32
    %dma_start3A_25 = tpu.memref_slice %arg4[%select_n3A, %dma_start3A_24] : memref<800x4096xf32, #tpu.memory_space<hbm>> -> memref<8x4096xf32, #tpu.memory_space<hbm>>
    tpu.enqueue_dma source(%arg6 : memref<8x4096xf32, #tpu.memory_space<vmem>>) target(%dma_start3A_25 : memref<8x4096xf32, #tpu.memory_space<hbm>>) target_semaphore(%arg9 : memref<!tpu.dma_semaphore, #tpu.memory_space<semaphore_mem>>)
    %dma_wait3A_26 = arith.constant 8 : i32
    %dma_wait3A_27 = tpu.memref_slice %arg5[%dma_wait3A_26] : memref<32xi32, #tpu.memory_space<vmem>> -> memref<16xi32, #tpu.memory_space<vmem>>
    %dma_wait3A_28 = arith.constant 0 : i32
    %dma_wait3A_29 = arith.constant 0 : i32
    %dma_wait3A_30 = tpu.memref_slice %arg2[%dma_wait3A_28, %dma_wait3A_29] : memref<200x4096xf32, #tpu.memory_space<hbm>> -> memref<200x4096xf32, #tpu.memory_space<hbm>>
    tpu.wait_indirect_dma semaphore(%arg8 : memref<!tpu.dma_semaphore, #tpu.memory_space<semaphore_mem>>) src(%dma_wait3A_30 : memref<200x4096xf32, #tpu.memory_space<hbm>>) dst(%arg7 : memref<16x4096xf32, #tpu.memory_space<vmem>>)
    %add3A_31 = arith.constant 8 : i32
    %add3A_32 = arith.addi %select_n3A, %add3A_31 : i32
    %dma_start3A_33 = arith.constant 0 : i32
    %dma_start3A_34 = tpu.memref_slice %arg4[%add3A_32, %dma_start3A_33] : memref<800x4096xf32, #tpu.memory_space<hbm>> -> memref<16x4096xf32, #tpu.memory_space<hbm>>
    %dma_start3A_35 = arith.constant 0 : i32
    %dma_start3A_36 = tpu.memref_slice %arg4[%add3A_32, %dma_start3A_35] : memref<800x4096xf32, #tpu.memory_space<hbm>> -> memref<16x4096xf32, #tpu.memory_space<hbm>>
    tpu.enqueue_dma source(%arg7 : memref<16x4096xf32, #tpu.memory_space<vmem>>) target(%dma_start3A_36 : memref<16x4096xf32, #tpu.memory_space<hbm>>) target_semaphore(%arg9 : memref<!tpu.dma_semaphore, #tpu.memory_space<semaphore_mem>>)
    %dma_wait3A_37 = arith.constant 0 : i32
    %dma_wait3A_38 = tpu.memref_slice %arg4[%select_n3A, %dma_wait3A_37] : memref<800x4096xf32, #tpu.memory_space<hbm>> -> memref<8x4096xf32, #tpu.memory_space<hbm>>
    %dma_wait3A_39 = arith.constant 0 : i32
    %dma_wait3A_40 = tpu.memref_slice %arg4[%select_n3A, %dma_wait3A_39] : memref<800x4096xf32, #tpu.memory_space<hbm>> -> memref<8x4096xf32, #tpu.memory_space<hbm>>
    tpu.wait_dma2 semaphore(%arg9 : memref<!tpu.dma_semaphore, #tpu.memory_space<semaphore_mem>>) src(%arg6 : memref<8x4096xf32, #tpu.memory_space<vmem>>) dst(%dma_wait3A_40 : memref<8x4096xf32, #tpu.memory_space<hbm>>)
    %convert_element_type3A = arith.extui %ge3A_1 : i1 to i32
    %cond3A = arith.constant 0 : i32
    %cond3A_41 = arith.cmpi ne, %convert_element_type3A, %cond3A : i32
    scf.if %cond3A_41 {
      %dma_start3A_46 = arith.constant 24 : i32
      %dma_start3A_47 = tpu.memref_slice %arg5[%dma_start3A_46] : memref<32xi32, #tpu.memory_space<vmem>> -> memref<8xi32, #tpu.memory_space<vmem>>
      %dma_start3A_48 = arith.constant 0 : i32
      %dma_start3A_49 = arith.constant 0 : i32
      %dma_start3A_50 = tpu.memref_slice %arg2[%dma_start3A_48, %dma_start3A_49] : memref<200x4096xf32, #tpu.memory_space<hbm>> -> memref<200x4096xf32, #tpu.memory_space<hbm>>
      tpu.enqueue_indirect_dma source(%dma_start3A_50 : memref<200x4096xf32, #tpu.memory_space<hbm>>) target(%arg6 : memref<8x4096xf32, #tpu.memory_space<vmem>>) offsets(%dma_start3A_47 : memref<8xi32, #tpu.memory_space<vmem>>) semaphore(%arg8 : memref<!tpu.dma_semaphore, #tpu.memory_space<semaphore_mem>>)
      %dma_wait3A_51 = arith.constant 24 : i32
      %dma_wait3A_52 = tpu.memref_slice %arg5[%dma_wait3A_51] : memref<32xi32, #tpu.memory_space<vmem>> -> memref<8xi32, #tpu.memory_space<vmem>>
      %dma_wait3A_53 = arith.constant 0 : i32
      %dma_wait3A_54 = arith.constant 0 : i32
      %dma_wait3A_55 = tpu.memref_slice %arg2[%dma_wait3A_53, %dma_wait3A_54] : memref<200x4096xf32, #tpu.memory_space<hbm>> -> memref<200x4096xf32, #tpu.memory_space<hbm>>
      tpu.wait_indirect_dma semaphore(%arg8 : memref<!tpu.dma_semaphore, #tpu.memory_space<semaphore_mem>>) src(%dma_wait3A_55 : memref<200x4096xf32, #tpu.memory_space<hbm>>) dst(%arg6 : memref<8x4096xf32, #tpu.memory_space<vmem>>)
      %add3A_56 = arith.constant 24 : i32
      %add3A_57 = arith.addi %select_n3A, %add3A_56 : i32
      %dma_start3A_58 = arith.constant 0 : i32
      %dma_start3A_59 = tpu.memref_slice %arg4[%add3A_57, %dma_start3A_58] : memref<800x4096xf32, #tpu.memory_space<hbm>> -> memref<8x4096xf32, #tpu.memory_space<hbm>>
      %dma_start3A_60 = arith.constant 0 : i32
      %dma_start3A_61 = tpu.memref_slice %arg4[%add3A_57, %dma_start3A_60] : memref<800x4096xf32, #tpu.memory_space<hbm>> -> memref<8x4096xf32, #tpu.memory_space<hbm>>
      tpu.enqueue_dma source(%arg6 : memref<8x4096xf32, #tpu.memory_space<vmem>>) target(%dma_start3A_61 : memref<8x4096xf32, #tpu.memory_space<hbm>>) target_semaphore(%arg9 : memref<!tpu.dma_semaphore, #tpu.memory_space<semaphore_mem>>)
      %dma_wait3A_62 = arith.constant 0 : i32
      %dma_wait3A_63 = tpu.memref_slice %arg4[%add3A_57, %dma_wait3A_62] : memref<800x4096xf32, #tpu.memory_space<hbm>> -> memref<8x4096xf32, #tpu.memory_space<hbm>>
      %dma_wait3A_64 = arith.constant 0 : i32
      %dma_wait3A_65 = tpu.memref_slice %arg4[%add3A_57, %dma_wait3A_64] : memref<800x4096xf32, #tpu.memory_space<hbm>> -> memref<8x4096xf32, #tpu.memory_space<hbm>>
      tpu.wait_dma2 semaphore(%arg9 : memref<!tpu.dma_semaphore, #tpu.memory_space<semaphore_mem>>) src(%arg6 : memref<8x4096xf32, #tpu.memory_space<vmem>>) dst(%dma_wait3A_65 : memref<8x4096xf32, #tpu.memory_space<hbm>>)
    } else {
    }
    %dma_wait3A_42 = arith.constant 0 : i32
    %dma_wait3A_43 = tpu.memref_slice %arg4[%add3A_32, %dma_wait3A_42] : memref<800x4096xf32, #tpu.memory_space<hbm>> -> memref<16x4096xf32, #tpu.memory_space<hbm>>
    %dma_wait3A_44 = arith.constant 0 : i32
    %dma_wait3A_45 = tpu.memref_slice %arg4[%add3A_32, %dma_wait3A_44] : memref<800x4096xf32, #tpu.memory_space<hbm>> -> memref<16x4096xf32, #tpu.memory_space<hbm>>
    tpu.wait_dma2 semaphore(%arg9 : memref<!tpu.dma_semaphore, #tpu.memory_space<semaphore_mem>>) src(%arg7 : memref<16x4096xf32, #tpu.memory_space<vmem>>) dst(%dma_wait3A_45 : memref<16x4096xf32, #tpu.memory_space<hbm>>)
    return
  }
}

</mosaic_0001>

<sc_bundles>
// kernel: kernel.3.cloned.1.call-start
scs
__scs_entry_jumppad:
0x0: {  	(pc) =	sbr.rel $0x88, $3  }
0x1: {  	(tag) =	ssettag $0x0;
	lr =	simm.s32 $0x1  }
0x2: {  	[smem:$0x3F9F] =	sst lr;
	_ =	strace $0xD0000000  }
0x3: {  	_ = 	snop  }
0x4: {  	_ = 	snop  }
0x5: {  	_ = 	snop  }
0x6: {  	_ = 	snop  }
0x7: {  	_ = 	snop  }
__scs_overlays_trampoline_lowered:
0x8: {  	[smem:$0x3FAE] =	sst s0  }
0x9: {  	[smem:$0x3FAF] =	sst s1  }
0xa: {  	[smem:$0x3FB0] =	sst s2  }
0xb: {  	[smem:$0x3FB1] =	sst s3  }
0xc: {  	[smem:$0x3FB2] =	sst s4  }
0xd: {  	[smem:$0x3FB3] =	sst s5  }
0xe: {  	[smem:$0x3FB4] =	sst s6  }
0xf: {  	[smem:$0x3FB5] =	sst s7  }
0x10: {  	[smem:$0x3FB6] =	sst s8  }
0x11: {  	[smem:$0x3FB7] =	sst s9;
	s0 =	simm.s32 @!p0 $0x0  }
0x12: {  	s1 =	sld [smem:$0x3F9D];
	s0 =	simm.s32 @p0 $0x1  }
0x13: {  	[smem:$0x3FB8] =	sst s0;
	s0 =	simm.s32 @!p1 $0x0  }
0x14: {  	s2 =	sld [smem:$0x3F9C];
	s0 =	simm.s32 @p1 $0x1  }
0x15: {  	[smem:$0x3FB9] =	sst s0;
	s0 =	simm.s32 @!p2 $0x0  }
0x16: {  	s3 =	sld [smem:$0x3FDB];
	s0 =	simm.s32 @p2 $0x1  }
0x17: {  	s4 =	simm.s32 $0x1BF5;
	[smem:$0x3FBB] =	sst s0  }
0x18: {  	s0 =	sld [smem:$0x3F9E];
	_ =	swait.ge [sflag:s4], $0x0  }
0x19: {  	s7 =	sld [smem:$0x3F9F]  }
0x1a: {  	s8 =	sadd.s32 $0xFFFFE003, lr  }
0x1b: {  	s9 =	sadd.s32 $0xFFFFFEF7, lr;
	s5 =	simm.s32 $0xFFFFFFFF;
	p2 =	slt.u32 s8, $0xFFFFF086  }
0x1c: {  	p1 =	slt.u32 s9, $0xF7A;
	s5 =	simm.s32 @!p2 $0x0  }
0x1d: {  	s5 =	simm.s32 @p1 $0x1;
	p0 =	seq.s32 s7, s2  }
0x1e: {  	s7 =	smul.u32 @!p0 $0xF7A, s2;
	p2 =	seq.s32 @!p0 s5, $0x0  }
0x1f: {  	s9 =	smul.u32 $0xF7A, s1;
	s8 =	simm.s32 @!p0 $0x1BF5;
	p2 =	por !p2, p0  }
0x20: {  	[sflag:s8] =	ssyncset.s32 @!p0 $0xFFFFF086;
	s6 =	sadd.s32 @!p0 s3, s7;
	s7 =	simm.s32 @!p0 $0x108  }
0x21: {  	s3 =	sadd.s32 s3, s9;
	s6 =	sadd.s32 @!p0 $0x88, s6;
	s7 =	simm.s32 @p2 $0x1082  }
0x22: {  	[simem:s7], [sflag:s8] =	dma.local @!p0 [hbm:s6], $0xF7A  }
0x23: {  	s9 =	sor.u32 $0xD0000000, s2;
	s6 =	simm.s32 $0x108;
	_ =	swait.ge @!p0 [sflag:s8], $0x0  }
0x24: {  	s3 =	sadd.s32 $0x88, s3;
	s6 =	simm.s32 @!p1 $0x1082;
	[sflag:s4] =	ssyncset.s32 $0xFFFFF086  }
0x25: {  	[simem:s6], [sflag:s4] =	dma.local [hbm:s3], $0xF7A  }
0x26: {  	[smem:$0x3F9F] =	sst s1;
	(tag) =	ssettag s2;
	_ =	strace s9  }
0x27: {  	s1 =	sld [smem:$0x3FAF]  }
0x28: {  	s2 =	sld [smem:$0x3FB0]  }
0x29: {  	s4 =	sld [smem:$0x3FB2]  }
0x2a: {  	p0 =	seq.s32 s5, $0x0;
	s5 =	sld [smem:$0x3FB3]  }
0x2b: {  	s6 =	sld [smem:$0x3FB4]  }
0x2c: {  	s7 =	sld [smem:$0x3FB5]  }
0x2d: {  	s3 =	simm.s32 $0x108;
	s8 =	sld [smem:$0x3FB6]  }
0x2e: {  	s3 =	simm.s32 @!p0 $0x1082;
	s9 =	sld [smem:$0x3FB7]  }
0x2f: {  	lr =	sadd.s32 s0, s3;
	s0 =	sld [smem:$0x3FAE]  }
0x30: {  	s3 =	sld [smem:$0x3FB1]  }
0x31: {  	[smem:$0x3FBA] =	sst s10  }
0x32: {  	s10 =	sld [smem:$0x3FB8];
	_ =	sdelay $0x3  }
0x33: {  	p0 =	seq.s32 s10, $0x1;
	s10 =	sld [smem:$0x3FBA];
	_ =	sdelay $0x3  }
0x34: {  	[smem:$0x3FBA] =	sst s10  }
0x35: {  	s10 =	sld [smem:$0x3FB9];
	_ =	sdelay $0x3  }
0x36: {  	p1 =	seq.s32 s10, $0x1;
	s10 =	sld [smem:$0x3FBA];
	_ =	sdelay $0x3  }
0x37: {  	[smem:$0x3FBA] =	sst s10  }
0x38: {  	s10 =	sld [smem:$0x3FBB]  }
0x39: {  	_ = 	snop;
	(pc) =	sbr.ind lr, $3  }
0x3a: {  	_ = 	snop  }
0x3b: {  	_ = 	snop  }
0x3c: {  	p2 =	seq.s32 s10, $0x1;
	s10 =	sld [smem:$0x3FBA]  }
0x3d: {  	_ =	shalt  }
0x3e: {  	_ =	shalt  }
0x3f: {  	_ =	shalt  }
0x40: {  	_ =	shalt  }
0x41: {  	_ =	shalt  }
0x42: {  	_ =	shalt  }
0x43: {  	_ =	shalt  }
0x44: {  	_ =	shalt  }
0x45: {  	_ =	shalt  }
0x46: {  	_ =	shalt  }
0x47: {  	_ =	shalt  }
0x48: {  	_ =	shalt  }
0x49: {  	_ =	shalt  }
0x4a: {  	_ =	shalt  }
0x4b: {  	_ =	shalt  }
0x4c: {  	_ =	shalt  }
0x4d: {  	_ =	shalt  }
0x4e: {  	_ =	shalt  }
0x4f: {  	_ =	shalt  }
0x50: {  	_ =	shalt  }
0x51: {  	_ =	shalt  }
0x52: {  	_ =	shalt  }
0x53: {  	_ =	shalt  }
0x54: {  	_ =	shalt  }
0x55: {  	_ =	shalt  }
0x56: {  	_ =	shalt  }
0x57: {  	_ =	shalt  }
0x58: {  	_ =	shalt  }
0x59: {  	_ =	shalt  }
0x5a: {  	_ =	shalt  }
0x5b: {  	_ =	shalt  }
0x5c: {  	_ =	shalt  }
0x5d: {  	_ =	shalt  }
0x5e: {  	_ =	shalt  }
0x5f: {  	_ =	shalt  }
0x60: {  	_ =	shalt  }
0x61: {  	_ =	shalt  }
0x62: {  	_ =	shalt  }
0x63: {  	_ =	shalt  }
0x64: {  	_ =	shalt  }
0x65: {  	_ =	shalt  }
0x66: {  	_ =	shalt  }
0x67: {  	_ =	shalt  }
0x68: {  	_ =	shalt  }
0x69: {  	_ =	shalt  }
0x6a: {  	_ =	shalt  }
0x6b: {  	_ =	shalt  }
0x6c: {  	_ =	shalt  }
0x6d: {  	_ =	shalt  }
0x6e: {  	_ =	shalt  }
0x6f: {  	_ =	shalt  }
0x70: {  	_ =	shalt  }
0x71: {  	_ =	shalt  }
0x72: {  	_ =	shalt  }
0x73: {  	_ =	shalt  }
0x74: {  	_ =	shalt  }
0x75: {  	_ =	shalt  }
0x76: {  	_ =	shalt  }
0x77: {  	_ =	shalt  }
0x78: {  	_ =	shalt  }
0x79: {  	_ =	shalt  }
0x7a: {  	_ =	shalt  }
0x7b: {  	_ =	shalt  }
0x7c: {  	_ =	shalt  }
0x7d: {  	_ =	shalt  }
0x7e: {  	_ =	shalt  }
0x7f: {  	_ =	shalt  }
0x80: {  	_ =	shalt  }
0x81: {  	_ =	shalt  }
0x82: {  	_ =	shalt  }
0x83: {  	_ =	shalt  }
0x84: {  	_ =	shalt  }
0x85: {  	_ =	shalt  }
0x86: {  	_ =	shalt  }
0x87: {  	_ =	shalt  }
.Lfunc_end0:
.L_simem_size_0:
called_computation_lowered:
.L_overlay_start_0:
0x88: {  	s2 =	sld [smem:$0x3FD9]  }
0x89: {  	s3 =	sld [smem:$0x3FFE];
	_ =	sdelay $0x1  }
0x8a: {  	s1 =	srdreg.scid  }
0x8b: {  	s0 =	sand.u32 $0x1, s1  }
0x8c: {  	s17 =	sshll.u32 s0, $0xA;
	s2 =	sadd.s32 s3, s2  }
0x8d: {  	s2 =	sadd.s32 s2, s17  }
0x8e: {  	[smem:$0x3FC6] =	sst s2  }
0x8f: {  	_ = 	snop  }
0x90: {  	s2 =	sld [smem:$0x3FC8]  }
0x91: {  	s18 =	sld [smem:$0x3FD0];
	(tm) =	ssettm $0x1  }
0x92: {  	s4 =	sld [smem:$0x3FFB];
	_ =	sdelay $0x3  }
0x93: {  	_ =	strace s4  }
0x94: {  	s4 =	sld [smem:$0x3FFC];
	_ =	sdelay $0x3  }
0x95: {  	_ =	strace s4  }
0x96: {  	s4 =	sld [smem:$0x3FFD];
	_ =	sdelay $0x3  }
0x97: {  	_ =	strace s4  }
0x98: {  	_ =	strace $0x8FFFFFFF  }
0x99: {  	s19 =	sld [smem:$0x3FDB];
	_ =	sdelay $0x1  }
0x9a: {  	s5 =	simm.s32 $_scs_section_size  }
0x9b: {  	s6 =	simm.s32 $_size__tile_overlayer_lowered;
	s7 =	simm.s32 $_tile_overlayer_lowered  }
0x9c: {  	s22 =	simm.s32 $0x1BFF;
	s21 =	sshll.u32 s7, $0x1;
	s4 =	sadd.s32 s5, s19  }
0x9d: {  	s8 =	simm.s32 $0x0;
	s20 =	sshll.u32 s6, $0x1;
	s6 =	sadd.s32 s21, s4  }
0x9e: {  	[timem:s8], [sflag:s22] =	dma.local [hbm:s6], s20  }
0x9f: {  	_ =	swait.ge [sflag:s22], s20  }
0xa0: {  	s5 =	ssub.s32 $0x0, s20;
	[sflag:s22] =	ssyncset.done $0x0  }
0xa1: {  	[sflag:s22] =	ssyncadd.s32 s5;
	_ =	sdelay $0x1  }
0xa2: {  	s23 =	simm.s32 $0x1B8B  }
0xa3: {  	_ =	swait.ge [sflag:s23], $0x1  }
0xa4: {  	[sflag:s23] =	ssyncset.done $0x0  }
0xa5: {  	s25 =	simm.s32 $0x1B8E;
	s24 =	sld [smem:$0x3FFE];
	[sflag:s23] =	ssyncadd.s32 $0xFFFFFFFF  }
0xa6: {  	s26 =	simm.s32 $execute0_lowered;
	[smem:$0x3FD2] =	sst s25  }
0xa7: {  	s6 =	sshll.u32 s26, $0x1;
	_ =	strace $0x80000046;
	[dreg:$0x1] =	wrdreg $0xFFFFFFFF  }
0xa8: {  	s28 =	simm.s32 $_size_execute0_lowered;
	s4 =	sadd.s32 s4, s6;
	[dreg:$0x0] =	wrdreg $0x0  }
0xa9: {  	s6 =	sshll.u32 s28, $0x1;
	[dreg:$0x2] =	wrdreg s4  }
0xaa: {  	[dreg:$0x3] =	wrdreg s6  }
0xab: {  	[dreg:$0x4] =	wrdreg $0xC0  }
0xac: {  	_ =	task [dreg:s8], $0x5FFFF  }
0xad: {  	[dreg:$0x1] =	wrdreg $0xFFFFFFFF  }
0xae: {  	[dreg:$0x0] =	wrdreg $0x60  }
0xaf: {  	[dreg:$0x2] =	wrdreg s2  }
0xb0: {  	[dreg:$0x3] =	wrdreg s24  }
0xb1: {  	[dreg:$0x4] =	wrdreg s18  }
0xb2: {  	[dreg:$0x5] =	wrdreg $0x9  }
0xb3: {  	_ =	task.clear_ibuf [dreg:s8], $0x6FFFF;
	_ =	strace $0x90000046  }
0xb4: {  	s29 =	simm.s32 $0x9;
	_ =	strace $0x80000048  }
0xb5: {  	_ =	swait.ge [sflag:s29], $0x1  }
0xb6: {  	[sflag:s29] =	ssyncadd.s32 $0xFFFFFFFF  }
0xb7: {  	_ =	strace $0x90000048  }
0xb8: {  	_ =	sfence  }
0xb9: {  	s30 =	sld [smem:$0x0];
	_ =	sdelay $0x2  }
0xba: {  	s31 =	sshll.u32 s1, $0xD;
	s1 =	sshrl.u32 s1, $0x2  }
0xbb: {  	s3 =	sand.u32 $0x4000, s31;
	s1 =	sadd.s32 s1, s30  }
0xbc: {  	s0 =	sor.u32 s3, s0;
	s1 =	sshll.u32 s1, $0x11  }
0xbd: {  	s0 =	sor.u32 s1, s0  }
0xbe: {  	s0 =	sadd.s32 $0x8F2B, s0  }
0xbf: {  	[sflag:s0] =	ssyncadd.remote.s32 $0x1  }
0xc0: {  	_ =	sfence.sel $0xFFFF  }
0xc1: {  	[dreg:$0x0] =	wrdreg $0xFFFFFFFF;
	(pc) =	sbr.abs _section_cstart, $3  }
0xc2: {  	[dreg:$0x1] =	wrdreg $0xFFFFFFFF  }
0xc3: {  	_ =	task.clear_ibuf [dreg:s8], $0x2FFFF;
	_ =	strace $0x9FFFFFFF  }
0xc4: {  	(tm) =	ssettm $0x7FFFFFFF  }
0xc5: {  	_ =	shalt  }
tec
execute0_lowered:
.L_overlay_start_1:
0x0: {  	(tag) =	ssettag $0x1  }
0x1: {  	s1 =	srdreg.scid;
	s0 =	stileid.u32  }
0x2: {  	s4 =	sand.u32 $0x1, s1;
	s17 =	sshll.u32 s0, $0x1  }
0x3: {  	s6 =	rddreg [dreg:$0x1];
	s2 =	sor.u32 s4, s17  }
0x4: {  	s7 =	rddreg [dreg:$0x2];
	s3 =	sshll.u32 s2, $0x5;
	s5 =	smul.u32 $0x18, s2  }
0x5: {  	s1 =	rddreg [dreg:$0x0];
	p0 =	sgt.u32 s0, $0xD;
	s2 =	sadd.s32 $0xFFFFFF20, s3  }
0x6: {  	s3 =	simm.s32 $0x0;
	s5 =	smov.u32 @p0 s2;
	s2 =	rddreg [dreg:$0x3]  }
0x7: {  	s23 =	simm.s32 $0x880;
	[smem:$0x7FF] =	sst s3  }
0x8: {  	s24 =	simm.s32 $0x1080;
	_ =	strace $0x80000047;
	[dreg:$0x8] =	wrdreg s23  }
0x9: {  	s25 =	simm.s32 $0x1880;
	[dreg:$0x9] =	wrdreg s24  }
0xa: {  	s26 =	simm.s32 $0x2080;
	[dreg:$0xa] =	wrdreg s25  }
0xb: {  	s28 =	simm.s32 $0x2880;
	[dreg:$0xb] =	wrdreg s26  }
0xc: {  	s29 =	simm.s32 $0x3080;
	[dreg:$0xc] =	wrdreg s28  }
0xd: {  	s30 =	simm.s32 $0x3880;
	[dreg:$0xd] =	wrdreg s29  }
0xe: {  	s31 =	simm.s32 $0x4080;
	[dreg:$0xe] =	wrdreg s30  }
0xf: {  	s9 =	simm.s32 $0x6080;
	[dreg:$0xf] =	wrdreg s31  }
0x10: {  	s10 =	simm.s32 $0x6880;
	[dreg:$0x13] =	wrdreg s9  }
0x11: {  	s11 =	simm.s32 $0x7080;
	[dreg:$0x14] =	wrdreg s10  }
0x12: {  	s12 =	simm.s32 $0x7880;
	[dreg:$0x15] =	wrdreg s11  }
0x13: {  	s13 =	simm.s32 $0x8880;
	[dreg:$0x16] =	wrdreg s12  }
0x14: {  	s14 =	simm.s32 $0x9080;
	[dreg:$0x17] =	wrdreg s13  }
0x15: {  	s15 =	simm.s32 $0x9880;
	[dreg:$0x18] =	wrdreg s14  }
0x16: {  	s16 =	simm.s32 $0xA080;
	[dreg:$0x19] =	wrdreg s15  }
0x17: {  	s17 =	simm.s32 $0xA880;
	[dreg:$0x1a] =	wrdreg s16  }
0x18: {  	[dreg:$0x1b] =	wrdreg s17;
	s23 =	simm.s32 $0xD080  }
0x19: {  	s24 =	simm.s32 $0xD880;
	[smem:$0x7E8] =	sst s23  }
0x1a: {  	s25 =	simm.s32 $0xE080;
	[smem:$0x7E9] =	sst s24  }
0x1b: {  	s26 =	simm.s32 $0xE880;
	[smem:$0x7EA] =	sst s25  }
0x1c: {  	s28 =	simm.s32 $0xF080;
	[smem:$0x7EB] =	sst s26  }
0x1d: {  	s4 =	ssub.s32 $0x2, s4;
	s9 =	simm.s32 $0xF880;
	[smem:$0x7EC] =	sst s28  }
0x1e: {  	p0 =	slt.u32 s0, $0xE;
	s10 =	simm.s32 $0x10080;
	[smem:$0x7ED] =	sst s9  }
0x1f: {  	s8 =	sshrl.u32 s5, $0x3;
	s11 =	simm.s32 $0x10880;
	[smem:$0x7EE] =	sst s10  }
0x20: {  	s18 =	sshll.u32 s5, $0xC;
	s12 =	simm.s32 $0x11080;
	[smem:$0x7EF] =	sst s11  }
0x21: {  	s5 =	sshll.u32 s5, $0x9;
	s13 =	simm.s32 $0x11880;
	[smem:$0x7F0] =	sst s12  }
0x22: {  	s14 =	simm.s32 $0x12080;
	s15 =	simm.s32 $0x12880;
	[smem:$0x7F1] =	sst s13  }
0x23: {  	s16 =	simm.s32 $0x13080;
	s17 =	simm.s32 $0x13880;
	[smem:$0x7F2] =	sst s14  }
0x24: {  	s29 =	simm.s32 $0x15080;
	s30 =	simm.s32 $0x15880;
	[smem:$0x7F3] =	sst s15  }
0x25: {  	s31 =	simm.s32 $0x17880;
	s6 =	sadd.s32 s8, s6;
	[smem:$0x7F4] =	sst s16  }
0x26: {  	s19 =	sadd.s32 $0x8000, s18;
	s5 =	sadd.s32 s7, s5;
	[smem:$0x7F5] =	sst s17  }
0x27: {  	s8 =	sadd.s32 $0x18000, s18;
	s18 =	simm.s32 $0xB080;
	[smem:$0x7F8] =	sst s29  }
0x28: {  	s9 =	sadd.s32 $0x600, s1;
	s10 =	sadd.s32 $0x700, s1;
	[smem:$0x7F9] =	sst s30  }
0x29: {  	s11 =	sadd.s32 $0x800, s1;
	s12 =	sadd.s32 $0x900, s1;
	[smem:$0x7FD] =	sst s31  }
0x2a: {  	s13 =	sadd.s32 $0xA00, s1;
	s14 =	sadd.s32 $0xB00, s1;
	[dreg:$0x5] =	wrdreg s5  }
0x2b: {  	s15 =	sadd.s32 $0xC00, s1;
	s23 =	simm.s32 $0x17080;
	[dreg:$0x1c] =	wrdreg s18  }
0x2c: {  	s16 =	sadd.s32 $0xD00, s1;
	s6 =	sadd.s32 $0x400, s6;
	[smem:$0x7FC] =	sst s23  }
0x2d: {  	s21 =	sshrl.u32 s8, $0x3;
	s8 =	simm.s32 $0x5880;
	[dreg:$0x4] =	wrdreg s6  }
0x2e: {  	s17 =	sadd.s32 $0xE00, s1;
	s18 =	simm.s32 $0x14080;
	[dreg:$0x12] =	wrdreg s8  }
0x2f: {  	s24 =	simm.s32 $0x2;
	s22 =	sadd.s32 s7, s21;
	[smem:$0x7F6] =	sst s18  }
0x30: {  	s6 =	sshrl.u32 s19, $0x3;
	s19 =	simm.s32 $0xB880;
	[dreg:$0x7] =	wrdreg s22  }
0x31: {  	s5 =	sadd.s32 $0x200, s1;
	s21 =	simm.s32 $0xC880;
	[dreg:$0x1d] =	wrdreg s19  }
0x32: {  	s23 =	simm.s32 $0x1;
	s20 =	sadd.s32 s7, s6;
	[dreg:$0x1f] =	wrdreg s21  }
0x33: {  	s8 =	sadd.s32 $0x500, s1;
	s6 =	simm.s32 $0x4880;
	[dreg:$0x6] =	wrdreg s20  }
0x34: {  	s18 =	sadd.s32 $0xF00, s1;
	s7 =	simm.s32 $0x5080;
	[dreg:$0x10] =	wrdreg s6  }
0x35: {  	s22 =	sshrl.u32 s4, $0x1;
	s21 =	simm.s32 $0x16080;
	[dreg:$0x11] =	wrdreg s7  }
0x36: {  	s20 =	simm.s32 $0xC080;
	s19 =	ssub.s32 s4, s22;
	s4 =	sadd.s32 $0x100, s1  }
0x37: {  	s6 =	sadd.s32 $0x300, s1;
	s7 =	sadd.s32 $0x400, s1;
	[smem:$0x7FA] =	sst s21  }
0x38: {  	v2 =	vlaneseq.u32;
	s22 =	simm.s32 $0x16880;
	s21 =	simm.s32 $0x80;
	[dreg:$0x1e] =	wrdreg s20  }
0x39: {  	vm0 =	vmmov $0xffff;
	v1 =	vshrl.u32 v2, $0x3;
	v0 =	vand.u32 $0x7, v2;
	s20 =	simm.s32 $0x14880;
	s19 =	smax.u32 s19, $0x1;
	[smem:$0x7FB] =	sst s22  }
0x3a: {  	v2 =	vor.u32 $0x8, v2;
	v1 =	vmul.u32 $0x8, v1;
	vm1 =	vmmov @!p0 $0xffff;
	s22 =	simm.s32 $0x8080;
	[smem:$0x7F7] =	sst s20;
	s20 =	simm.s32 $0x3  }
.LBB2_1:
0x3b: {  	s25 =	rddreg [dreg:$0x4]  }
0x3c: {  	[tilespmem:s3], [sflag:$0x3] =	stream.linear.gather [hbm4b:s25+s3], $0x20, $0x38;
	[tilespmem:$0x18080] =	vst v63  }
0x3d: {  	_ =	swait.ge [sflag:s20], $0x20  }
0x3e: {  	[sflag:s20] =	ssyncset.done $0x0  }
0x3f: {  	[sflag:s20] =	ssyncadd.s32 $0xFFFFFFE0  }
0x40: {  	v3 =	vld.msk [tilespmem:$0x0], $0xff;
	_ =	sdelay $0x4  }
0x41: {  	v4 =	vshll.u32 v3, $0x5  }
0x42: {  	v3 =	vand.u32 $0x7, v3;
	v4 =	vand.u32 $0xFFFFFF00, v4  }
0x43: {  	v3 =	vor.u32 v3, v4  }
0x44: {  	v3 =	vperm.xlane v3, v0;
	_ =	sdelay $0x1  }
0x45: {  	v3 =	vadd.s32 v1, v3;
	_ =	sdelay $0x4  }
0x46: {  	[tilespmem:s21], [sflag:$0x1] =	stream.indirect_vreg.gather [hbm4b:s1+s3], $0x80, v3, vm0, $0xb8;
	[tilespmem:$0x18080] =	vst v63  }
0x47: {  	s30 =	rddreg [dreg:$0x8]  }
0x48: {  	[tilespmem:s30], [sflag:$0x1] =	stream.indirect_vreg.gather [hbm4b:s4+s3], $0x80, v3, vm0, $0xb8;
	[tilespmem:$0x18080] =	vst v63  }
0x49: {  	s26 =	rddreg [dreg:$0x9]  }
0x4a: {  	[tilespmem:s26], [sflag:$0x1] =	stream.indirect_vreg.gather [hbm4b:s5+s3], $0x80, v3, vm0, $0xb8;
	[tilespmem:$0x18080] =	vst v63  }
0x4b: {  	s31 =	rddreg [dreg:$0xa]  }
0x4c: {  	[tilespmem:s31], [sflag:$0x1] =	stream.indirect_vreg.gather [hbm4b:s6+s3], $0x80, v3, vm0, $0xb8;
	[tilespmem:$0x18080] =	vst v63  }
0x4d: {  	s28 =	rddreg [dreg:$0xb]  }
0x4e: {  	[tilespmem:s28], [sflag:$0x1] =	stream.indirect_vreg.gather [hbm4b:s7+s3], $0x80, v3, vm0, $0xb8;
	[tilespmem:$0x18080] =	vst v63  }
0x4f: {  	s29 =	rddreg [dreg:$0xc]  }
0x50: {  	[tilespmem:s29], [sflag:$0x1] =	stream.indirect_vreg.gather [hbm4b:s8+s3], $0x80, v3, vm0, $0xb8;
	[tilespmem:$0x18080] =	vst v63  }
0x51: {  	s30 =	rddreg [dreg:$0xd]  }
0x52: {  	[tilespmem:s30], [sflag:$0x1] =	stream.indirect_vreg.gather [hbm4b:s9+s3], $0x80, v3, vm0, $0xb8;
	[tilespmem:$0x18080] =	vst v63  }
0x53: {  	s31 =	rddreg [dreg:$0xe]  }
0x54: {  	[tilespmem:s31], [sflag:$0x1] =	stream.indirect_vreg.gather [hbm4b:s10+s3], $0x80, v3, vm0, $0xb8;
	[tilespmem:$0x18080] =	vst v63  }
0x55: {  	s28 =	rddreg [dreg:$0xf]  }
0x56: {  	[tilespmem:s28], [sflag:$0x1] =	stream.indirect_vreg.gather [hbm4b:s11+s3], $0x80, v3, vm0, $0xb8;
	[tilespmem:$0x18080] =	vst v63  }
0x57: {  	s29 =	rddreg [dreg:$0x10]  }
0x58: {  	[tilespmem:s29], [sflag:$0x1] =	stream.indirect_vreg.gather [hbm4b:s12+s3], $0x80, v3, vm0, $0xb8;
	[tilespmem:$0x18080] =	vst v63  }
0x59: {  	s30 =	rddreg [dreg:$0x11]  }
0x5a: {  	[tilespmem:s30], [sflag:$0x1] =	stream.indirect_vreg.gather [hbm4b:s13+s3], $0x80, v3, vm0, $0xb8;
	[tilespmem:$0x18080] =	vst v63  }
0x5b: {  	s31 =	rddreg [dreg:$0x12]  }
0x5c: {  	[tilespmem:s31], [sflag:$0x1] =	stream.indirect_vreg.gather [hbm4b:s14+s3], $0x80, v3, vm0, $0xb8;
	[tilespmem:$0x18080] =	vst v63  }
0x5d: {  	s28 =	rddreg [dreg:$0x13]  }
0x5e: {  	[tilespmem:s28], [sflag:$0x1] =	stream.indirect_vreg.gather [hbm4b:s15+s3], $0x80, v3, vm0, $0xb8;
	[tilespmem:$0x18080] =	vst v63  }
0x5f: {  	s29 =	rddreg [dreg:$0x14]  }
0x60: {  	[tilespmem:s29], [sflag:$0x1] =	stream.indirect_vreg.gather [hbm4b:s16+s3], $0x80, v3, vm0, $0xb8;
	[tilespmem:$0x18080] =	vst v63  }
0x61: {  	s30 =	rddreg [dreg:$0x15]  }
0x62: {  	[tilespmem:s30], [sflag:$0x1] =	stream.indirect_vreg.gather [hbm4b:s17+s3], $0x80, v3, vm0, $0xb8;
	[tilespmem:$0x18080] =	vst v63  }
0x63: {  	s31 =	rddreg [dreg:$0x16]  }
0x64: {  	[tilespmem:s31], [sflag:$0x1] =	stream.indirect_vreg.gather [hbm4b:s18+s3], $0x80, v3, vm0, $0xb8;
	[tilespmem:$0x18080] =	vst v63  }
0x65: {  	v3 =	vld [tilespmem:$0x8];
	_ =	sdelay $0x4  }
0x66: {  	v63 =	vshll.u32 v3, $0x5  }
0x67: {  	v3 =	vand.u32 $0x7, v3;
	v4 =	vand.u32 $0xFFFFFF00, v63  }
0x68: {  	v3 =	vor.u32 v3, v4  }
0x69: {  	v4 =	vperm.xlane v3, v0;
	_ =	sdelay $0x1  }
0x6a: {  	v4 =	vadd.s32 v1, v4;
	_ =	sdelay $0x3  }
0x6b: {  	s26 =	rddreg [dreg:$0x17]  }
0x6c: {  	[tilespmem:s22], [sflag:$0x1] =	stream.indirect_vreg.gather [hbm4b:s1+s3], $0x80, v4, vm0, $0xb8;
	[tilespmem:$0x18080] =	vst v63  }
0x6d: {  	s28 =	rddreg [dreg:$0x18]  }
0x6e: {  	[tilespmem:s26], [sflag:$0x1] =	stream.indirect_vreg.gather [hbm4b:s4+s3], $0x80, v4, vm0, $0xb8;
	[tilespmem:$0x18080] =	vst v63  }
0x6f: {  	s29 =	rddreg [dreg:$0x19]  }
0x70: {  	[tilespmem:s28], [sflag:$0x1] =	stream.indirect_vreg.gather [hbm4b:s5+s3], $0x80, v4, vm0, $0xb8;
	[tilespmem:$0x18080] =	vst v63  }
0x71: {  	s30 =	rddreg [dreg:$0x1a]  }
0x72: {  	[tilespmem:s29], [sflag:$0x1] =	stream.indirect_vreg.gather [hbm4b:s6+s3], $0x80, v4, vm0, $0xb8;
	[tilespmem:$0x18080] =	vst v63  }
0x73: {  	s31 =	rddreg [dreg:$0x1b]  }
0x74: {  	[tilespmem:s30], [sflag:$0x1] =	stream.indirect_vreg.gather [hbm4b:s7+s3], $0x80, v4, vm0, $0xb8;
	[tilespmem:$0x18080] =	vst v63  }
0x75: {  	s28 =	rddreg [dreg:$0x1c]  }
0x76: {  	[tilespmem:s31], [sflag:$0x1] =	stream.indirect_vreg.gather [hbm4b:s8+s3], $0x80, v4, vm0, $0xb8;
	[tilespmem:$0x18080] =	vst v63  }
0x77: {  	s29 =	rddreg [dreg:$0x1d]  }
0x78: {  	[tilespmem:s28], [sflag:$0x1] =	stream.indirect_vreg.gather [hbm4b:s9+s3], $0x80, v4, vm0, $0xb8;
	[tilespmem:$0x18080] =	vst v63  }
0x79: {  	s30 =	rddreg [dreg:$0x1e]  }
0x7a: {  	[tilespmem:s29], [sflag:$0x1] =	stream.indirect_vreg.gather [hbm4b:s10+s3], $0x80, v4, vm0, $0xb8;
	[tilespmem:$0x18080] =	vst v63  }
0x7b: {  	s31 =	rddreg [dreg:$0x1f]  }
0x7c: {  	[tilespmem:s30], [sflag:$0x1] =	stream.indirect_vreg.gather [hbm4b:s11+s3], $0x80, v4, vm0, $0xb8;
	[tilespmem:$0x18080] =	vst v63  }
0x7d: {  	s28 =	sld [smem:$0x7E8]  }
0x7e: {  	[tilespmem:s31], [sflag:$0x1] =	stream.indirect_vreg.gather [hbm4b:s12+s3], $0x80, v4, vm0, $0xb8;
	[tilespmem:$0x18080] =	vst v63  }
0x7f: {  	s29 =	sld [smem:$0x7E9]  }
0x80: {  	[tilespmem:s28], [sflag:$0x1] =	stream.indirect_vreg.gather [hbm4b:s13+s3], $0x80, v4, vm0, $0xb8;
	[tilespmem:$0x18080] =	vst v63  }
0x81: {  	s30 =	sld [smem:$0x7EA]  }
0x82: {  	[tilespmem:s29], [sflag:$0x1] =	stream.indirect_vreg.gather [hbm4b:s14+s3], $0x80, v4, vm0, $0xb8;
	[tilespmem:$0x18080] =	vst v63  }
0x83: {  	s31 =	sld [smem:$0x7EB]  }
0x84: {  	[tilespmem:s30], [sflag:$0x1] =	stream.indirect_vreg.gather [hbm4b:s15+s3], $0x80, v4, vm0, $0xb8;
	[tilespmem:$0x18080] =	vst v63  }
0x85: {  	v3 =	vperm.xlane v3, v2;
	s28 =	sld [smem:$0x7EC]  }
0x86: {  	[tilespmem:s31], [sflag:$0x1] =	stream.indirect_vreg.gather [hbm4b:s16+s3], $0x80, v4, vm0, $0xb8;
	[tilespmem:$0x18080] =	vst v63  }
0x87: {  	v3 =	vadd.s32 v1, v3;
	s29 =	sld [smem:$0x7ED]  }
0x88: {  	[tilespmem:s28], [sflag:$0x1] =	stream.indirect_vreg.gather [hbm4b:s17+s3], $0x80, v4, vm0, $0xb8;
	[tilespmem:$0x18080] =	vst v63  }
0x89: {  	s30 =	sld [smem:$0x7EE]  }
0x8a: {  	[tilespmem:s29], [sflag:$0x1] =	stream.indirect_vreg.gather [hbm4b:s18+s3], $0x80, v4, vm0, $0xb8;
	[tilespmem:$0x18080] =	vst v63  }
0x8b: {  	s31 =	sld [smem:$0x7EF]  }
0x8c: {  	[tilespmem:s30], [sflag:$0x1] =	stream.indirect_vreg.gather [hbm4b:s1+s3], $0x80, v3, vm0, $0xb8;
	[tilespmem:$0x18080] =	vst v63  }
0x8d: {  	s28 =	sld [smem:$0x7F0]  }
0x8e: {  	[tilespmem:s31], [sflag:$0x1] =	stream.indirect_vreg.gather [hbm4b:s4+s3], $0x80, v3, vm0, $0xb8;
	[tilespmem:$0x18080] =	vst v63  }
0x8f: {  	s29 =	sld [smem:$0x7F1]  }
0x90: {  	[tilespmem:s28], [sflag:$0x1] =	stream.indirect_vreg.gather [hbm4b:s5+s3], $0x80, v3, vm0, $0xb8;
	[tilespmem:$0x18080] =	vst v63  }
0x91: {  	s30 =	sld [smem:$0x7F2]  }
0x92: {  	[tilespmem:s29], [sflag:$0x1] =	stream.indirect_vreg.gather [hbm4b:s6+s3], $0x80, v3, vm0, $0xb8;
	[tilespmem:$0x18080] =	vst v63  }
0x93: {  	s31 =	sld [smem:$0x7F3]  }
0x94: {  	[tilespmem:s30], [sflag:$0x1] =	stream.indirect_vreg.gather [hbm4b:s7+s3], $0x80, v3, vm0, $0xb8;
	[tilespmem:$0x18080] =	vst v63  }
0x95: {  	s28 =	sld [smem:$0x7F4]  }
0x96: {  	[tilespmem:s31], [sflag:$0x1] =	stream.indirect_vreg.gather [hbm4b:s8+s3], $0x80, v3, vm0, $0xb8;
	[tilespmem:$0x18080] =	vst v63  }
0x97: {  	s29 =	sld [smem:$0x7F5]  }
0x98: {  	[tilespmem:s28], [sflag:$0x1] =	stream.indirect_vreg.gather [hbm4b:s9+s3], $0x80, v3, vm0, $0xb8;
	[tilespmem:$0x18080] =	vst v63  }
0x99: {  	s30 =	sld [smem:$0x7F6]  }
0x9a: {  	[tilespmem:s29], [sflag:$0x1] =	stream.indirect_vreg.gather [hbm4b:s10+s3], $0x80, v3, vm0, $0xb8;
	[tilespmem:$0x18080] =	vst v63  }
0x9b: {  	s31 =	sld [smem:$0x7F7]  }
0x9c: {  	[tilespmem:s30], [sflag:$0x1] =	stream.indirect_vreg.gather [hbm4b:s11+s3], $0x80, v3, vm0, $0xb8;
	[tilespmem:$0x18080] =	vst v63  }
0x9d: {  	s28 =	sld [smem:$0x7F8]  }
0x9e: {  	[tilespmem:s31], [sflag:$0x1] =	stream.indirect_vreg.gather [hbm4b:s12+s3], $0x80, v3, vm0, $0xb8;
	[tilespmem:$0x18080] =	vst v63  }
0x9f: {  	s29 =	sld [smem:$0x7F9]  }
0xa0: {  	[tilespmem:s28], [sflag:$0x1] =	stream.indirect_vreg.gather [hbm4b:s13+s3], $0x80, v3, vm0, $0xb8;
	[tilespmem:$0x18080] =	vst v63  }
0xa1: {  	s30 =	sld [smem:$0x7FA]  }
0xa2: {  	[tilespmem:s29], [sflag:$0x1] =	stream.indirect_vreg.gather [hbm4b:s14+s3], $0x80, v3, vm0, $0xb8;
	[tilespmem:$0x18080] =	vst v63  }
0xa3: {  	s31 =	sld [smem:$0x7FB]  }
0xa4: {  	[tilespmem:s30], [sflag:$0x1] =	stream.indirect_vreg.gather [hbm4b:s15+s3], $0x80, v3, vm0, $0xb8;
	[tilespmem:$0x18080] =	vst v63  }
0xa5: {  	s28 =	sld [smem:$0x7FC]  }
0xa6: {  	[tilespmem:s31], [sflag:$0x1] =	stream.indirect_vreg.gather [hbm4b:s16+s3], $0x80, v3, vm0, $0xb8;
	[tilespmem:$0x18080] =	vst v63  }
0xa7: {  	s29 =	sld [smem:$0x7FD]  }
0xa8: {  	[tilespmem:s28], [sflag:$0x1] =	stream.indirect_vreg.gather [hbm4b:s17+s3], $0x80, v3, vm0, $0xb8;
	[tilespmem:$0x18080] =	vst v63  }
0xa9: {  	_ = 	snop  }
0xaa: {  	[tilespmem:s29], [sflag:$0x1] =	stream.indirect_vreg.gather [hbm4b:s18+s3], $0x80, v3, vm0, $0xb8;
	[tilespmem:$0x18080] =	vst v63  }
0xab: {  	_ =	swait.ge [sflag:s23], $0x8000  }
0xac: {  	[sflag:s23] =	ssyncset.done $0x0  }
0xad: {  	s30 =	rddreg [dreg:$0x5];
	[sflag:s23] =	ssyncadd.s32 $0xFFFF8000  }
0xae: {  	[hbm4b:s30+s3] =	stream.linear.scatter [tilespmem:s21], [sflag:$0x2], $0x8000, $0x38;
	[tilespmem:$0x18080] =	vst v63  }
0xaf: {  	_ =	swait.ge [sflag:s23], $0x10000  }
0xb0: {  	[sflag:s23] =	ssyncset.done $0x0  }
0xb1: {  	s31 =	rddreg [dreg:$0x6];
	[sflag:s23] =	ssyncadd.s32 $0xFFFF0000  }
0xb2: {  	[hbm4b:s31+s3] =	stream.linear.scatter [tilespmem:s22], [sflag:$0x2], $0x10000, $0x38;
	[tilespmem:$0x18080] =	vst v63  }
0xb3: {  	_ =	swait.ge [sflag:s24], $0x8000  }
0xb4: {  	[sflag:s24] =	ssyncset.done $0x0  }
0xb5: {  	[sflag:s24] =	ssyncadd.s32 $0xFFFF8000  }
0xb6: {  	v3 =	vld.msk @!p0 [tilespmem:$0x18], $0xff;
	_ =	sdelay $0x4  }
0xb7: {  	v4 =	vshll.u32 @!p0 v3, $0x5  }
0xb8: {  	v5 =	vlaneseq.u32 @!p0;
	v3 =	vand.u32 @!p0 $0x7, v3;
	v4 =	vand.u32 @!p0 $0xFFFFFF00, v4  }
0xb9: {  	v3 =	vor.u32 @!p0 v3, v4;
	v4 =	vand.u32 @!p0 $0x7, v5;
	v5 =	vshrl.u32 @!p0 v5, $0x3  }
0xba: {  	v3 =	vperm.xlane @!p0 v3, v4;
	v4 =	vmul.u32 @!p0 $0x8, v5;
	_ =	sdelay $0x1  }
0xbb: {  	v3 =	vadd.s32 @!p0 v4, v3;
	_ =	sdelay $0x3  }
0xbc: {  	s25 =	simm.s32 @!p0 $0x0;
	s26 =	simm.s32 @!p0 $0x80  }
0xbd: {  	[tilespmem:s26], [sflag:$0x1] =	stream.indirect_vreg.gather @!p0 [hbm4b:s1+s25], $0x80, v3, vm1, $0xb8;
	[tilespmem:$0x18080] =	vst v63  }
0xbe: {  	s28 =	simm.s32 @!p0 $0x880  }
0xbf: {  	[tilespmem:s28], [sflag:$0x1] =	stream.indirect_vreg.gather @!p0 [hbm4b:s4+s25], $0x80, v3, vm1, $0xb8;
	[tilespmem:$0x18080] =	vst v63  }
0xc0: {  	s28 =	simm.s32 @!p0 $0x1080  }
0xc1: {  	[tilespmem:s28], [sflag:$0x1] =	stream.indirect_vreg.gather @!p0 [hbm4b:s5+s25], $0x80, v3, vm1, $0xb8;
	[tilespmem:$0x18080] =	vst v63  }
0xc2: {  	s28 =	simm.s32 @!p0 $0x1880  }
0xc3: {  	[tilespmem:s28], [sflag:$0x1] =	stream.indirect_vreg.gather @!p0 [hbm4b:s6+s25], $0x80, v3, vm1, $0xb8;
	[tilespmem:$0x18080] =	vst v63  }
0xc4: {  	s28 =	simm.s32 @!p0 $0x2080  }
0xc5: {  	[tilespmem:s28], [sflag:$0x1] =	stream.indirect_vreg.gather @!p0 [hbm4b:s7+s25], $0x80, v3, vm1, $0xb8;
	[tilespmem:$0x18080] =	vst v63  }
0xc6: {  	s28 =	simm.s32 @!p0 $0x2880  }
0xc7: {  	[tilespmem:s28], [sflag:$0x1] =	stream.indirect_vreg.gather @!p0 [hbm4b:s8+s25], $0x80, v3, vm1, $0xb8;
	[tilespmem:$0x18080] =	vst v63  }
0xc8: {  	s28 =	simm.s32 @!p0 $0x3080  }
0xc9: {  	[tilespmem:s28], [sflag:$0x1] =	stream.indirect_vreg.gather @!p0 [hbm4b:s9+s25], $0x80, v3, vm1, $0xb8;
	[tilespmem:$0x18080] =	vst v63  }
0xca: {  	s28 =	simm.s32 @!p0 $0x3880  }
0xcb: {  	[tilespmem:s28], [sflag:$0x1] =	stream.indirect_vreg.gather @!p0 [hbm4b:s10+s25], $0x80, v3, vm1, $0xb8;
	[tilespmem:$0x18080] =	vst v63  }
0xcc: {  	s28 =	simm.s32 @!p0 $0x4080  }
0xcd: {  	[tilespmem:s28], [sflag:$0x1] =	stream.indirect_vreg.gather @!p0 [hbm4b:s11+s25], $0x80, v3, vm1, $0xb8;
	[tilespmem:$0x18080] =	vst v63  }
0xce: {  	s28 =	simm.s32 @!p0 $0x4880  }
0xcf: {  	[tilespmem:s28], [sflag:$0x1] =	stream.indirect_vreg.gather @!p0 [hbm4b:s12+s25], $0x80, v3, vm1, $0xb8;
	[tilespmem:$0x18080] =	vst v63  }
0xd0: {  	s28 =	simm.s32 @!p0 $0x5080  }
0xd1: {  	[tilespmem:s28], [sflag:$0x1] =	stream.indirect_vreg.gather @!p0 [hbm4b:s13+s25], $0x80, v3, vm1, $0xb8;
	[tilespmem:$0x18080] =	vst v63  }
0xd2: {  	s28 =	simm.s32 @!p0 $0x5880  }
0xd3: {  	[tilespmem:s28], [sflag:$0x1] =	stream.indirect_vreg.gather @!p0 [hbm4b:s14+s25], $0x80, v3, vm1, $0xb8;
	[tilespmem:$0x18080] =	vst v63  }
0xd4: {  	s28 =	simm.s32 @!p0 $0x6080  }
0xd5: {  	[tilespmem:s28], [sflag:$0x1] =	stream.indirect_vreg.gather @!p0 [hbm4b:s15+s25], $0x80, v3, vm1, $0xb8;
	[tilespmem:$0x18080] =	vst v63  }
0xd6: {  	s28 =	simm.s32 @!p0 $0x6880  }
0xd7: {  	[tilespmem:s28], [sflag:$0x1] =	stream.indirect_vreg.gather @!p0 [hbm4b:s16+s25], $0x80, v3, vm1, $0xb8;
	[tilespmem:$0x18080] =	vst v63  }
0xd8: {  	s28 =	simm.s32 @!p0 $0x7080  }
0xd9: {  	[tilespmem:s28], [sflag:$0x1] =	stream.indirect_vreg.gather @!p0 [hbm4b:s17+s25], $0x80, v3, vm1, $0xb8;
	[tilespmem:$0x18080] =	vst v63  }
0xda: {  	s28 =	simm.s32 @!p0 $0x7880  }
0xdb: {  	[tilespmem:s28], [sflag:$0x1] =	stream.indirect_vreg.gather @!p0 [hbm4b:s18+s25], $0x80, v3, vm1, $0xb8;
	[tilespmem:$0x18080] =	vst v63  }
0xdc: {  	s28 =	simm.s32 @!p0 $0x1  }
0xdd: {  	_ =	swait.ge @!p0 [sflag:s28], $0x8000  }
0xde: {  	[sflag:s28] =	ssyncset.done @!p0 $0x0  }
0xdf: {  	s29 =	rddreg [dreg:$0x7];
	[sflag:s28] =	ssyncadd.s32 @!p0 $0xFFFF8000  }
0xe0: {  	[hbm4b:s29+s25] =	stream.linear.scatter @!p0 [tilespmem:s26], [sflag:$0x2], $0x8000, $0x38;
	[tilespmem:$0x18080] =	vst v63  }
0xe1: {  	s19 =	sadd.s32 $0xFFFFFFFF, s19;
	s25 =	simm.s32 @!p0 $0x2  }
0xe2: {  	p1 =	sne.s32 s19, $0x0;
	_ =	swait.ge @!p0 [sflag:s25], $0x8000  }
.Ltmp0:
0xe3: {  	[sflag:s25] =	ssyncset.done @!p0 $0x0;
	(pc) =	sbr.rel @p1 .LBB2_1-.Ltmp0, $4  }
0xe4: {  	[sflag:s25] =	ssyncadd.s32 @!p0 $0xFFFF8000  }
0xe5: {  	_ =	swait.ge [sflag:s24], $0x10000  }
0xe6: {  	[sflag:s24] =	ssyncset.done $0x0  }
0xe7: {  	[sflag:s24] =	ssyncadd.s32 $0xFFFF0000  }
0xe8: {  	_ =	sfence.sel $0x180000  }
0xe9: {  	[bflag:$0x0] =	sbarrier.arrive $0xFFFF  }
0xea: {  	p0 =	sne.s32 s0, $0x0;
	_ =	strace $0x90000047  }
0xeb: {  	s0 =	sadd.s32 @!p0 $0x100000, s2;
	[bflag:$0x2] =	sbarrier.arrive $0xFFFF  }
0xec: {  	[sflag:s0] =	ssyncadd.tile.s32 @!p0 $0x1;
	_ =	shalt  }
.Lfunc_end2:
_tile_overlayer_lowered:
.L_overlay_start_2:
0xed: {  	(tag) =	ssettag $0x2  }
0xee: {  	s0 =	rddreg [dreg:$0x0];
	s2 =	stileid.u32  }
0xef: {  	s1 =	rddreg [dreg:$0x1];
	p0 =	sne.s32 s2, $0x0  }
0xf0: {  	s3 =	rddreg [dreg:$0x2];
	[bflag:$0x3] =	sbarrier.arrive $0xFFFF;
	s2 =	simm.s32 @!p0 $0x1C03  }
0xf1: {  	[timem:s3], [sflag:s2] =	dma.local @!p0 [hbm:s0], s1  }
0xf2: {  	s0 =	simm.s32 @!p0 $0x3  }
0xf3: {  	_ =	swait.ge @!p0 [sflag:s0], s1  }
0xf4: {  	s1 =	ssub.s32 @!p0 $0x0, s1;
	[sflag:s0] =	ssyncset.done @!p0 $0x0  }
0xf5: {  	[sflag:s0] =	ssyncadd.s32 @!p0 s1  }
0xf6: {  	[bflag:$0x3] =	sbarrier.arrive $0xFFFF  }
0xf7: {  	_ =	shalt  }

</sc_bundles>
